<compile_context>
chip_gen: v7x
topology: tpu7x:2x2x1
jax: 0.10.2.dev20260603
libtpu: 0.0.44.dev20260713+nightly
codegen_flags: <defaults>
</compile_context>

<pallas_src>
import functools

import jax
import jax.numpy as jnp
from jax import lax
from jax.experimental import pallas as pl
from jax.experimental.pallas import tpu as pltpu
from jax.experimental.pallas import tpu_sc as plsc

N, NBH, N_IN, NF, NG = 10000, 32, 128, 128, 25
E_TOT = N * NBH
CUTOFF = 5.0
LN2 = 0.6931471805599453
LOG2E = 1.4426950408889634

T = 200
ET = T * NBH
GRID = N // T

TP = 1000
GRID_PRE = N // TP
EPK = E_TOT // 128

NW = 32
EPW = E_TOT // NW
CH = 200
NCH = EPW // CH
NCH2 = NCH // 2


def _exp2_log2p1(v):
    u = jnp.exp2(jnp.minimum(v, 126.0))
    return jnp.log2(1.0 + u)


def _pre_body(x_ref, w_ref, y_ref):
    y_ref[...] = jnp.dot(x_ref[...], w_ref[...],
                         preferred_element_type=jnp.float32)


def _pre(x, w_in2f):
    return pl.pallas_call(
        _pre_body,
        grid=(GRID_PRE,),
        in_specs=[
            pl.BlockSpec((TP, N_IN), lambda i: (i, 0)),
            pl.BlockSpec((N_IN, NF), lambda i: (0, 0)),
        ],
        out_specs=pl.BlockSpec((TP, NF), lambda i: (i, 0)),
        out_shape=jax.ShapeDtypeStruct((N, NF), jnp.float32),
    )(x, w_in2f)


def _cut_body(dr_ref, mask_ref, cm_ref):
    dr = dr_ref[...]
    c = 0.5 * (jnp.cos(dr * (jnp.pi / CUTOFF)) + 1.0)
    c = c * (dr < CUTOFF).astype(jnp.float32)
    cm_ref[...] = c * mask_ref[...]


def _cut(dr_pk, mask_pk):
    return pl.pallas_call(
        _cut_body,
        out_shape=jax.ShapeDtypeStruct((EPK, 128), jnp.float32),
    )(dr_pk, mask_pk)


def _gather(y, idx_flat):
    mesh = plsc.VectorSubcoreMesh(core_axis_name="c", subcore_axis_name="s")

    @functools.partial(
        pl.kernel,
        out_type=jax.ShapeDtypeStruct((E_TOT, NF), jnp.float32),
        mesh=mesh,
        scratch_types=[
            pltpu.VMEM((CH,), jnp.int32),
            pltpu.VMEM((CH,), jnp.int32),
            pltpu.VMEM((CH, NF), jnp.float32),
            pltpu.VMEM((CH, NF), jnp.float32),
            pltpu.SemaphoreType.DMA,
            pltpu.SemaphoreType.DMA,
            pltpu.SemaphoreType.DMA,
            pltpu.SemaphoreType.DMA,
            pltpu.SemaphoreType.DMA,
            pltpu.SemaphoreType.DMA,
        ],
        compiler_params=pltpu.CompilerParams(use_tc_tiling_on_sc=True),
    )
    def k(ytab, idx_hbm, out_hbm, i0, i1, r0, r1,
          si0, si1, sg0, sg1, sw0, sw1):
        nc = mesh.num_cores
        wid = lax.axis_index("s") * nc + lax.axis_index("c")
        base = wid * EPW
        ib, rb = (i0, i1), (r0, r1)
        si, sg, sw = (si0, si1), (sg0, sg1), (sw0, sw1)

        def idx_cp(c, b):
            return pltpu.make_async_copy(
                idx_hbm.at[pl.ds(base + c * CH, CH)], ib[b], si[b])

        def gath(b):
            return pltpu.make_async_copy(ytab.at[ib[b]], rb[b], sg[b])

        def wrb(c, b):
            return pltpu.make_async_copy(
                rb[b], out_hbm.at[pl.ds(base + c * CH, CH)], sw[b])

        idx_cp(0, 0).start()
        idx_cp(1, 1).start()

        def body(c2, carry):
            c0 = c2 * 2
            c1 = c0 + 1

            @pl.when(c2 > 0)
            def _():
                wrb(c0 - 2, 0).wait()
                wrb(c1 - 2, 1).wait()

            idx_cp(c0, 0).wait()
            gath(0).start()
            idx_cp(c1, 1).wait()
            gath(0).wait()
            wrb(c0, 0).start()
            gath(1).start()

            @pl.when(c2 < NCH2 - 1)
            def _():
                idx_cp(c0 + 2, 0).start()

            gath(1).wait()
            wrb(c1, 1).start()

            @pl.when(c2 < NCH2 - 1)
            def _():
                idx_cp(c1 + 2, 1).start()

            return carry

        lax.fori_loop(0, NCH2, body, 0)
        wrb(NCH - 2, 0).wait()
        wrb(NCH - 1, 1).wait()

    return k(y, idx_flat)


def _ssp(v):
    return LN2 * _exp2_log2p1(v * LOG2E) - LN2


def _main_body(a_ref, yg_ref, cm_ref, wf1_ref, bf1_ref, wf2_ref, bf2_ref,
               wout_ref, bout_ref, o_ref):
    vp = jnp.dot(a_ref[...], wf1_ref[...],
                 preferred_element_type=jnp.float32) + bf1_ref[...]
    h = _ssp(vp)
    w = jnp.dot(h, wf2_ref[...],
                preferred_element_type=jnp.float32) + bf2_ref[...]
    z = w * cm_ref[...] * yg_ref[...]
    s = jnp.sum(z.reshape(T, NBH, NF), axis=1)
    op = jnp.dot(s, wout_ref[...],
                 preferred_element_type=jnp.float32) + bout_ref[...]
    o_ref[...] = _ssp(op)


def _main(a2d, yg, cm, w_f1, b_f1, w_f2, b_f2, w_out, b_out):
    full = lambda r, c: pl.BlockSpec((r, c), lambda i: (0, 0))
    return pl.pallas_call(
        _main_body,
        grid=(GRID,),
        in_specs=[
            pl.BlockSpec((ET, NG), lambda i: (i, 0)),
            pl.BlockSpec((ET, NF), lambda i: (i, 0)),
            pl.BlockSpec((ET, 1), lambda i: (i, 0)),
            full(NG, NF), full(1, NF), full(NF, NF), full(1, NF),
            full(NF, NF), full(1, NF),
        ],
        out_specs=pl.BlockSpec((T, NF), lambda i: (i, 0)),
        out_shape=jax.ShapeDtypeStruct((N, NF), jnp.float32),
    )(a2d, yg, cm, w_f1, b_f1, w_f2, b_f2, w_out, b_out)


def kernel(x, dR, neighbors_idx, pairwise_mask, dR_expanded,
           W_in2f, W_f1, b_f1, W_f2, b_f2, W_out, b_out):
    dr_pk = dR.reshape(E_TOT // 128, 128)
    mask_pk = pairwise_mask.reshape(E_TOT // 128, 128)
    a2d = dR_expanded.reshape(E_TOT, NG)
    idx_flat = neighbors_idx.reshape(E_TOT).astype(jnp.int32)

    y = _pre(x, W_in2f)
    cm = _cut(dr_pk, mask_pk)
    yg = _gather(y, idx_flat)
    cm_col = cm.reshape(E_TOT, 1)
    return _main(a2d, yg, cm_col, W_f1, b_f1.reshape(1, NF), W_f2,
                 b_f2.reshape(1, NF), W_out, b_out.reshape(1, NF))

# --- scband reference (transcript-rebuilt; emitter-appended) ---
"""Pipeline reference for scband-cfconv-34093450395735 (READ-ONLY COPY).

The authoritative reference and input builder live on the scoring server;
editing this copy changes nothing except your own understanding.
"""

import jax, jax.numpy as jnp
import numpy as np

N, NBH, N_IN, N_FILTERS, N_OUT, N_GAUSS = 10000, 32, 128, 128, 128, 25
CUTOFF = 5.0


def _ssp(v):
    # shifted softplus: log(0.5*exp(x) + 0.5)
    return jnp.logaddexp(v, 0.0) - jnp.log(2.0)


def setup_inputs(seed: int = 0) -> dict:
    key = jax.random.key(seed)
    ks = jax.random.split(key, 10)
    x = jax.random.normal(ks[0], (N, N_IN), dtype=jnp.float32)
    dR = jax.random.uniform(ks[1], (N, NBH), dtype=jnp.float32) * (0.9 * CUTOFF)
    neighbors_idx = jax.random.randint(ks[2], (N, NBH), 0, N)
    pairwise_mask = jnp.ones((N, NBH), dtype=jnp.float32)
    dR_expanded = jax.random.uniform(ks[3], (N, NBH, N_GAUSS), dtype=jnp.float32)
    W_in2f = jax.random.normal(ks[4], (N_IN, N_FILTERS), dtype=jnp.float32) / np.sqrt(N_IN)
    W_f1 = jax.random.normal(ks[5], (N_GAUSS, N_FILTERS), dtype=jnp.float32) / np.sqrt(N_GAUSS)
    b_f1 = jnp.zeros((N_FILTERS,), dtype=jnp.float32)
    W_f2 = jax.random.normal(ks[6], (N_FILTERS, N_FILTERS), dtype=jnp.float32) / np.sqrt(N_FILTERS)
    b_f2 = jnp.zeros((N_FILTERS,), dtype=jnp.float32)
    W_out = jax.random.normal(ks[7], (N_FILTERS, N_OUT), dtype=jnp.float32) / np.sqrt(N_FILTERS)
    b_out = jnp.zeros((N_OUT,), dtype=jnp.float32)
    return {"x": x, "dR": dR, "neighbors_idx": neighbors_idx, "pairwise_mask": pairwise_mask,
            "dR_expanded": dR_expanded, "W_in2f": W_in2f, "W_f1": W_f1, "b_f1": b_f1,
            "W_f2": W_f2, "b_f2": b_f2, "W_out": W_out, "b_out": b_out}


def reference(x, dR, neighbors_idx, pairwise_mask, dR_expanded,
              W_in2f, W_f1, b_f1, W_f2, b_f2, W_out, b_out):
    # filter_network: Dense -> ssp -> Dense
    h = _ssp(jnp.dot(dR_expanded, W_f1) + b_f1)
    W = jnp.dot(h, W_f2) + b_f2  # [N, NBH, n_filters]
    # cutoff_network: cosine cutoff
    C = 0.5 * (jnp.cos(dR * jnp.pi / CUTOFF) + 1.0) * (dR < CUTOFF).astype(dR.dtype)
    W = W * jnp.expand_dims(C, axis=-1)
    # in2f (no bias)
    y = jnp.dot(x, W_in2f)  # [N, n_filters]
    # _reshape_y: gather neighbor features
    nbh = neighbors_idx.reshape((N * NBH, 1))
    nbh = jnp.tile(nbh, (1, y.shape[1]))
    y = jnp.take_along_axis(y, indices=nbh, axis=0)
    y = jnp.reshape(y, (N, NBH, -1))
    # elementwise filter + masked sum-aggregate over neighbor axis (axis=1)
    y = y * W
    y = jnp.sum(y * jnp.expand_dims(pairwise_mask, axis=-1), axis=1)
    # f2out: Dense(with bias) -> activation(shifted softplus)
    y = _ssp(jnp.dot(y, W_out) + b_out)
    return y

if __name__ == "__main__":
    import jax
    _d = setup_inputs()
    print(jax.jit(kernel)(*tuple(_d.values())))

</pallas_src>

<mosaic_0001>
#map = affine_map<(d0, d1) -> (0, 0)>
#map1 = affine_map<(d0, d1) -> (0)>
module attributes {stable_mosaic.version = 14 : i64} {
  func.func @k(%arg0: i32, %arg1: i32, %arg2: memref<10000x128xf32, #tpu.memory_space<hbm>>, %arg3: memref<320000xi32, #tpu.memory_space<hbm>>, %arg4: memref<320000x128xf32, #tpu.memory_space<hbm>>, %arg5: memref<200xi32, #tpu.memory_space<vmem>>, %arg6: memref<200xi32, #tpu.memory_space<vmem>>, %arg7: memref<200x128xf32, #tpu.memory_space<vmem>>, %arg8: memref<200x128xf32, #tpu.memory_space<vmem>>, %arg9: memref<!tpu.dma_semaphore, #tpu.memory_space<semaphore_mem>>, %arg10: memref<!tpu.dma_semaphore, #tpu.memory_space<semaphore_mem>>, %arg11: memref<!tpu.dma_semaphore, #tpu.memory_space<semaphore_mem>>, %arg12: memref<!tpu.dma_semaphore, #tpu.memory_space<semaphore_mem>>, %arg13: memref<!tpu.dma_semaphore, #tpu.memory_space<semaphore_mem>>, %arg14: memref<!tpu.dma_semaphore, #tpu.memory_space<semaphore_mem>>) attributes {dimension_semantics = [#tpu.dimension_semantics<core_parallel>, #tpu.dimension_semantics<subcore_parallel>], iteration_bounds = array<i64: 2, 16>, scalar_prefetch = 0 : i64, scratch_operands = 10 : i64, tpu.core_type = #tpu.core_type<sc_vector_subcore>, window_params = [{transform_indices = #map}, {transform_indices = #map1}, {transform_indices = #map}]} {
    %mul3A = arith.constant 2 : i32
    %mul3A_0 = arith.muli %arg1, %mul3A : i32
    %add3A = arith.addi %mul3A_0, %arg0 : i32
    %mul3A_1 = arith.constant 10000 : i32
    %mul3A_2 = arith.muli %add3A, %mul3A_1 : i32
    %add3A_3 = arith.constant 0 : i32
    %add3A_4 = arith.addi %mul3A_2, %add3A_3 : i32
    %dma_start3A = tpu.memref_slice %arg3[%add3A_4] : memref<320000xi32, #tpu.memory_space<hbm>> -> memref<200xi32, #tpu.memory_space<hbm>>
    %dma_start3A_5 = tpu.memref_slice %arg3[%add3A_4] : memref<320000xi32, #tpu.memory_space<hbm>> -> memref<200xi32, #tpu.memory_space<hbm>>
    tpu.enqueue_dma source(%dma_start3A_5 : memref<200xi32, #tpu.memory_space<hbm>>) target(%arg5 : memref<200xi32, #tpu.memory_space<vmem>>) target_semaphore(%arg9 : memref<!tpu.dma_semaphore, #tpu.memory_space<semaphore_mem>>)
    %add3A_6 = arith.constant 200 : i32
    %add3A_7 = arith.addi %mul3A_2, %add3A_6 : i32
    %dma_start3A_8 = tpu.memref_slice %arg3[%add3A_7] : memref<320000xi32, #tpu.memory_space<hbm>> -> memref<200xi32, #tpu.memory_space<hbm>>
    %dma_start3A_9 = tpu.memref_slice %arg3[%add3A_7] : memref<320000xi32, #tpu.memory_space<hbm>> -> memref<200xi32, #tpu.memory_space<hbm>>
    tpu.enqueue_dma source(%dma_start3A_9 : memref<200xi32, #tpu.memory_space<hbm>>) target(%arg6 : memref<200xi32, #tpu.memory_space<vmem>>) target_semaphore(%arg10 : memref<!tpu.dma_semaphore, #tpu.memory_space<semaphore_mem>>)
    %scan3A = arith.constant 0 : i32
    %scan3A_10 = arith.constant 0 : i32
    %scan3A_11 = arith.constant 25 : i32
    %scan3A_12 = arith.addi %scan3A_10, %scan3A_11 : i32
    %scan3A_13 = arith.constant 1 : i32
    scf.for %scan3A_26 = %scan3A_10 to %scan3A_12 step %scan3A_13  : i32 {
      %mul3A_27 = arith.constant 2 : i32
      %mul3A_28 = arith.muli %scan3A_26, %mul3A_27 : i32
      %add3A_29 = arith.constant 1 : i32
      %add3A_30 = arith.addi %mul3A_28, %add3A_29 : i32
      %gt3A = arith.constant 0 : i32
      %gt3A_31 = arith.cmpi sgt, %scan3A_26, %gt3A : i32
      %convert_element_type3A = arith.extui %gt3A_31 : i1 to i32
      %cond3A = arith.constant 0 : i32
      %cond3A_32 = arith.cmpi ne, %convert_element_type3A, %cond3A : i32
      scf.if %cond3A_32 {
        %sub3A = arith.constant 2 : i32
        %sub3A_78 = arith.subi %mul3A_28, %sub3A : i32
        %mul3A_79 = arith.constant 200 : i32
        %mul3A_80 = arith.muli %sub3A_78, %mul3A_79 : i32
        %add3A_81 = arith.addi %mul3A_2, %mul3A_80 : i32
        %dma_wait3A_82 = arith.constant 0 : i32
        %dma_wait3A_83 = tpu.memref_slice %arg4[%add3A_81, %dma_wait3A_82] : memref<320000x128xf32, #tpu.memory_space<hbm>> -> memref<200x128xf32, #tpu.memory_space<hbm>>
        %dma_wait3A_84 = arith.constant 0 : i32
        %dma_wait3A_85 = tpu.memref_slice %arg4[%add3A_81, %dma_wait3A_84] : memref<320000x128xf32, #tpu.memory_space<hbm>> -> memref<200x128xf32, #tpu.memory_space<hbm>>
        tpu.wait_dma2 semaphore(%arg13 : memref<!tpu.dma_semaphore, #tpu.memory_space<semaphore_mem>>) src(%arg7 : memref<200x128xf32, #tpu.memory_space<vmem>>) dst(%dma_wait3A_85 : memref<200x128xf32, #tpu.memory_space<hbm>>)
        %sub3A_86 = arith.constant 2 : i32
        %sub3A_87 = arith.subi %add3A_30, %sub3A_86 : i32
        %mul3A_88 = arith.constant 200 : i32
        %mul3A_89 = arith.muli %sub3A_87, %mul3A_88 : i32
        %add3A_90 = arith.addi %mul3A_2, %mul3A_89 : i32
        %dma_wait3A_91 = arith.constant 0 : i32
        %dma_wait3A_92 = tpu.memref_slice %arg4[%add3A_90, %dma_wait3A_91] : memref<320000x128xf32, #tpu.memory_space<hbm>> -> memref<200x128xf32, #tpu.memory_space<hbm>>
        %dma_wait3A_93 = arith.constant 0 : i32
        %dma_wait3A_94 = tpu.memref_slice %arg4[%add3A_90, %dma_wait3A_93] : memref<320000x128xf32, #tpu.memory_space<hbm>> -> memref<200x128xf32, #tpu.memory_space<hbm>>
        tpu.wait_dma2 semaphore(%arg14 : memref<!tpu.dma_semaphore, #tpu.memory_space<semaphore_mem>>) src(%arg8 : memref<200x128xf32, #tpu.memory_space<vmem>>) dst(%dma_wait3A_94 : memref<200x128xf32, #tpu.memory_space<hbm>>)
      } else {
      }
      %mul3A_33 = arith.constant 200 : i32
      %mul3A_34 = arith.muli %mul3A_28, %mul3A_33 : i32
      %add3A_35 = arith.addi %mul3A_2, %mul3A_34 : i32
      %dma_wait3A_36 = tpu.memref_slice %arg3[%add3A_35] : memref<320000xi32, #tpu.memory_space<hbm>> -> memref<200xi32, #tpu.memory_space<hbm>>
      %dma_wait3A_37 = tpu.memref_slice %arg3[%add3A_35] : memref<320000xi32, #tpu.memory_space<hbm>> -> memref<200xi32, #tpu.memory_space<hbm>>
      tpu.wait_dma2 semaphore(%arg9 : memref<!tpu.dma_semaphore, #tpu.memory_space<semaphore_mem>>) src(%dma_wait3A_37 : memref<200xi32, #tpu.memory_space<hbm>>) dst(%arg5 : memref<200xi32, #tpu.memory_space<vmem>>)
      %dma_start3A_38 = arith.constant 0 : i32
      %dma_start3A_39 = arith.constant 0 : i32
      %dma_start3A_40 = tpu.memref_slice %arg2[%dma_start3A_38, %dma_start3A_39] : memref<10000x128xf32, #tpu.memory_space<hbm>> -> memref<10000x128xf32, #tpu.memory_space<hbm>>
      tpu.enqueue_indirect_dma source(%dma_start3A_40 : memref<10000x128xf32, #tpu.memory_space<hbm>>) target(%arg7 : memref<200x128xf32, #tpu.memory_space<vmem>>) offsets(%arg5 : memref<200xi32, #tpu.memory_space<vmem>>) semaphore(%arg11 : memref<!tpu.dma_semaphore, #tpu.memory_space<semaphore_mem>>)
      %mul3A_41 = arith.constant 200 : i32
      %mul3A_42 = arith.muli %add3A_30, %mul3A_41 : i32
      %add3A_43 = arith.addi %mul3A_2, %mul3A_42 : i32
      %dma_wait3A_44 = tpu.memref_slice %arg3[%add3A_43] : memref<320000xi32, #tpu.memory_space<hbm>> -> memref<200xi32, #tpu.memory_space<hbm>>
      %dma_wait3A_45 = tpu.memref_slice %arg3[%add3A_43] : memref<320000xi32, #tpu.memory_space<hbm>> -> memref<200xi32, #tpu.memory_space<hbm>>
      tpu.wait_dma2 semaphore(%arg10 : memref<!tpu.dma_semaphore, #tpu.memory_space<semaphore_mem>>) src(%dma_wait3A_45 : memref<200xi32, #tpu.memory_space<hbm>>) dst(%arg6 : memref<200xi32, #tpu.memory_space<vmem>>)
      %dma_wait3A_46 = arith.constant 0 : i32
      %dma_wait3A_47 = arith.constant 0 : i32
      %dma_wait3A_48 = tpu.memref_slice %arg2[%dma_wait3A_46, %dma_wait3A_47] : memref<10000x128xf32, #tpu.memory_space<hbm>> -> memref<10000x128xf32, #tpu.memory_space<hbm>>
      tpu.wait_indirect_dma semaphore(%arg11 : memref<!tpu.dma_semaphore, #tpu.memory_space<semaphore_mem>>) src(%dma_wait3A_48 : memref<10000x128xf32, #tpu.memory_space<hbm>>) dst(%arg7 : memref<200x128xf32, #tpu.memory_space<vmem>>)
      %mul3A_49 = arith.constant 200 : i32
      %mul3A_50 = arith.muli %mul3A_28, %mul3A_49 : i32
      %add3A_51 = arith.addi %mul3A_2, %mul3A_50 : i32
      %dma_start3A_52 = arith.constant 0 : i32
      %dma_start3A_53 = tpu.memref_slice %arg4[%add3A_51, %dma_start3A_52] : memref<320000x128xf32, #tpu.memory_space<hbm>> -> memref<200x128xf32, #tpu.memory_space<hbm>>
      %dma_start3A_54 = arith.constant 0 : i32
      %dma_start3A_55 = tpu.memref_slice %arg4[%add3A_51, %dma_start3A_54] : memref<320000x128xf32, #tpu.memory_space<hbm>> -> memref<200x128xf32, #tpu.memory_space<hbm>>
      tpu.enqueue_dma source(%arg7 : memref<200x128xf32, #tpu.memory_space<vmem>>) target(%dma_start3A_55 : memref<200x128xf32, #tpu.memory_space<hbm>>) target_semaphore(%arg13 : memref<!tpu.dma_semaphore, #tpu.memory_space<semaphore_mem>>)
      %dma_start3A_56 = arith.constant 0 : i32
      %dma_start3A_57 = arith.constant 0 : i32
      %dma_start3A_58 = tpu.memref_slice %arg2[%dma_start3A_56, %dma_start3A_57] : memref<10000x128xf32, #tpu.memory_space<hbm>> -> memref<10000x128xf32, #tpu.memory_space<hbm>>
      tpu.enqueue_indirect_dma source(%dma_start3A_58 : memref<10000x128xf32, #tpu.memory_space<hbm>>) target(%arg8 : memref<200x128xf32, #tpu.memory_space<vmem>>) offsets(%arg6 : memref<200xi32, #tpu.memory_space<vmem>>) semaphore(%arg12 : memref<!tpu.dma_semaphore, #tpu.memory_space<semaphore_mem>>)
      %lt3A = arith.constant 24 : i32
      %lt3A_59 = arith.cmpi slt, %scan3A_26, %lt3A : i32
      %convert_element_type3A_60 = arith.extui %lt3A_59 : i1 to i32
      %cond3A_61 = arith.constant 0 : i32
      %cond3A_62 = arith.cmpi ne, %convert_element_type3A_60, %cond3A_61 : i32
      scf.if %cond3A_62 {
        %add3A_78 = arith.constant 2 : i32
        %add3A_79 = arith.addi %mul3A_28, %add3A_78 : i32
        %mul3A_80 = arith.constant 200 : i32
        %mul3A_81 = arith.muli %add3A_79, %mul3A_80 : i32
        %add3A_82 = arith.addi %mul3A_2, %mul3A_81 : i32
        %dma_start3A_83 = tpu.memref_slice %arg3[%add3A_82] : memref<320000xi32, #tpu.memory_space<hbm>> -> memref<200xi32, #tpu.memory_space<hbm>>
        %dma_start3A_84 = tpu.memref_slice %arg3[%add3A_82] : memref<320000xi32, #tpu.memory_space<hbm>> -> memref<200xi32, #tpu.memory_space<hbm>>
        tpu.enqueue_dma source(%dma_start3A_84 : memref<200xi32, #tpu.memory_space<hbm>>) target(%arg5 : memref<200xi32, #tpu.memory_space<vmem>>) target_semaphore(%arg9 : memref<!tpu.dma_semaphore, #tpu.memory_space<semaphore_mem>>)
      } else {
      }
      %dma_wait3A_63 = arith.constant 0 : i32
      %dma_wait3A_64 = arith.constant 0 : i32
      %dma_wait3A_65 = tpu.memref_slice %arg2[%dma_wait3A_63, %dma_wait3A_64] : memref<10000x128xf32, #tpu.memory_space<hbm>> -> memref<10000x128xf32, #tpu.memory_space<hbm>>
      tpu.wait_indirect_dma semaphore(%arg12 : memref<!tpu.dma_semaphore, #tpu.memory_space<semaphore_mem>>) src(%dma_wait3A_65 : memref<10000x128xf32, #tpu.memory_space<hbm>>) dst(%arg8 : memref<200x128xf32, #tpu.memory_space<vmem>>)
      %mul3A_66 = arith.constant 200 : i32
      %mul3A_67 = arith.muli %add3A_30, %mul3A_66 : i32
      %add3A_68 = arith.addi %mul3A_2, %mul3A_67 : i32
      %dma_start3A_69 = arith.constant 0 : i32
      %dma_start3A_70 = tpu.memref_slice %arg4[%add3A_68, %dma_start3A_69] : memref<320000x128xf32, #tpu.memory_space<hbm>> -> memref<200x128xf32, #tpu.memory_space<hbm>>
      %dma_start3A_71 = arith.constant 0 : i32
      %dma_start3A_72 = tpu.memref_slice %arg4[%add3A_68, %dma_start3A_71] : memref<320000x128xf32, #tpu.memory_space<hbm>> -> memref<200x128xf32, #tpu.memory_space<hbm>>
      tpu.enqueue_dma source(%arg8 : memref<200x128xf32, #tpu.memory_space<vmem>>) target(%dma_start3A_72 : memref<200x128xf32, #tpu.memory_space<hbm>>) target_semaphore(%arg14 : memref<!tpu.dma_semaphore, #tpu.memory_space<semaphore_mem>>)
      %lt3A_73 = arith.constant 24 : i32
      %lt3A_74 = arith.cmpi slt, %scan3A_26, %lt3A_73 : i32
      %convert_element_type3A_75 = arith.extui %lt3A_74 : i1 to i32
      %cond3A_76 = arith.constant 0 : i32
      %cond3A_77 = arith.cmpi ne, %convert_element_type3A_75, %cond3A_76 : i32
      scf.if %cond3A_77 {
        %add3A_78 = arith.constant 2 : i32
        %add3A_79 = arith.addi %add3A_30, %add3A_78 : i32
        %mul3A_80 = arith.constant 200 : i32
        %mul3A_81 = arith.muli %add3A_79, %mul3A_80 : i32
        %add3A_82 = arith.addi %mul3A_2, %mul3A_81 : i32
        %dma_start3A_83 = tpu.memref_slice %arg3[%add3A_82] : memref<320000xi32, #tpu.memory_space<hbm>> -> memref<200xi32, #tpu.memory_space<hbm>>
        %dma_start3A_84 = tpu.memref_slice %arg3[%add3A_82] : memref<320000xi32, #tpu.memory_space<hbm>> -> memref<200xi32, #tpu.memory_space<hbm>>
        tpu.enqueue_dma source(%dma_start3A_84 : memref<200xi32, #tpu.memory_space<hbm>>) target(%arg6 : memref<200xi32, #tpu.memory_space<vmem>>) target_semaphore(%arg10 : memref<!tpu.dma_semaphore, #tpu.memory_space<semaphore_mem>>)
      } else {
      }
    }
    %scan3A_14 = arith.constant 25 : i32
    %add3A_15 = arith.constant 9600 : i32
    %add3A_16 = arith.addi %mul3A_2, %add3A_15 : i32
    %dma_wait3A = arith.constant 0 : i32
    %dma_wait3A_17 = tpu.memref_slice %arg4[%add3A_16, %dma_wait3A] : memref<320000x128xf32, #tpu.memory_space<hbm>> -> memref<200x128xf32, #tpu.memory_space<hbm>>
    %dma_wait3A_18 = arith.constant 0 : i32
    %dma_wait3A_19 = tpu.memref_slice %arg4[%add3A_16, %dma_wait3A_18] : memref<320000x128xf32, #tpu.memory_space<hbm>> -> memref<200x128xf32, #tpu.memory_space<hbm>>
    tpu.wait_dma2 semaphore(%arg13 : memref<!tpu.dma_semaphore, #tpu.memory_space<semaphore_mem>>) src(%arg7 : memref<200x128xf32, #tpu.memory_space<vmem>>) dst(%dma_wait3A_19 : memref<200x128xf32, #tpu.memory_space<hbm>>)
    %add3A_20 = arith.constant 9800 : i32
    %add3A_21 = arith.addi %mul3A_2, %add3A_20 : i32
    %dma_wait3A_22 = arith.constant 0 : i32
    %dma_wait3A_23 = tpu.memref_slice %arg4[%add3A_21, %dma_wait3A_22] : memref<320000x128xf32, #tpu.memory_space<hbm>> -> memref<200x128xf32, #tpu.memory_space<hbm>>
    %dma_wait3A_24 = arith.constant 0 : i32
    %dma_wait3A_25 = tpu.memref_slice %arg4[%add3A_21, %dma_wait3A_24] : memref<320000x128xf32, #tpu.memory_space<hbm>> -> memref<200x128xf32, #tpu.memory_space<hbm>>
    tpu.wait_dma2 semaphore(%arg14 : memref<!tpu.dma_semaphore, #tpu.memory_space<semaphore_mem>>) src(%arg8 : memref<200x128xf32, #tpu.memory_space<vmem>>) dst(%dma_wait3A_25 : memref<200x128xf32, #tpu.memory_space<hbm>>)
    return
  }
}

module attributes {stable_mosaic.version = 14 : i64} {
  func.func @_pre_body(%arg0: i32, %arg1: memref<1000x128xf32, #tpu.memory_space<vmem>>, %arg2: memref<128x128xf32, #tpu.memory_space<vmem>>, %arg3: memref<1000x128xf32, #tpu.memory_space<vmem>>) attributes {dimension_semantics = [#tpu.dimension_semantics<arbitrary>], iteration_bounds = array<i64: 10>, scalar_prefetch = 0 : i64, scratch_operands = 0 : i64, tpu.core_type = #tpu.core_type<tc>, window_params = [{transform_indices = @transform_0, window_bounds = array<i64: 1000, 128>}, {pipeline_mode = #tpu.pipeline_mode<synchronous>, transform_indices = @transform_1, window_bounds = array<i64: 128, 128>}, {transform_indices = @transform_2, window_bounds = array<i64: 1000, 128>}]} {
    %get3A = arith.constant 0 : index
    %get3A_0 = arith.constant 0 : index
    %get3A_1 = vector.load %arg1[%get3A, %get3A_0] : memref<1000x128xf32, #tpu.memory_space<vmem>>, vector<1000x128xf32>
    %get3A_2 = arith.constant 0 : index
    %get3A_3 = arith.constant 0 : index
    %get3A_4 = vector.load %arg2[%get3A_2, %get3A_3] : memref<128x128xf32, #tpu.memory_space<vmem>>, vector<128x128xf32>
    %dot_general3A = arith.constant dense<0.000000e+00> : vector<1000x128xf32>
    %dot_general3A_5 = tpu.matmul %get3A_1, %get3A_4, %dot_general3A {dimension_numbers = #tpu.dot_dimension_numbers<[1], [0], [0], [1], [0, 0, 1, 1], [], []>, transpose_lhs_hint = false} : vector<1000x128xf32>, vector<128x128xf32>, vector<1000x128xf32> -> vector<1000x128xf32>
    %swap3A = arith.constant 0 : index
    %swap3A_6 = arith.constant 0 : index
    %swap3A_7 = vector.load %arg3[%swap3A, %swap3A_6] : memref<1000x128xf32, #tpu.memory_space<vmem>>, vector<1000x128xf32>
    tpu.vector_store %arg3[%swap3A, %swap3A_6], %dot_general3A_5 {strides = array<i32>} : memref<1000x128xf32, #tpu.memory_space<vmem>>, vector<1000x128xf32>,
    return
  }
  func.func @transform_0(%arg0: i32) -> (i32, i32) {
    %c0_i32 = arith.constant 0 : i32
    %c0_i32_0 = arith.constant 0 : i32
    return %arg0, %c0_i32 : i32, i32
  }
  func.func @transform_1(%arg0: i32) -> (i32, i32) {
    %c0_i32 = arith.constant 0 : i32
    %c0_i32_0 = arith.constant 0 : i32
    %c0_i32_1 = arith.constant 0 : i32
    return %c0_i32, %c0_i32_0 : i32, i32
  }
  func.func @transform_2(%arg0: i32) -> (i32, i32) {
    %c0_i32 = arith.constant 0 : i32
    %c0_i32_0 = arith.constant 0 : i32
    return %arg0, %c0_i32 : i32, i32
  }
}

module attributes {stable_mosaic.version = 14 : i64} {
  func.func @_cut_body(%arg0: memref<2500x128xf32, #tpu.memory_space<vmem>>, %arg1: memref<2500x128xf32, #tpu.memory_space<vmem>>, %arg2: memref<2500x128xf32, #tpu.memory_space<vmem>>) attributes {dimension_semantics = [], scalar_prefetch = 0 : i64, scratch_operands = 0 : i64, tpu.core_type = #tpu.core_type<tc>} {
    %get3A = arith.constant 0 : index
    %get3A_0 = arith.constant 0 : index
    %get3A_1 = vector.load %arg0[%get3A, %get3A_0] : memref<2500x128xf32, #tpu.memory_space<vmem>>, vector<2500x128xf32>
    %mul3A = arith.constant 0.628318548 : f32
    %mul3A_2 = vector.broadcast %mul3A : f32 to vector<2500x128xf32>
    %mul3A_3 = arith.mulf %get3A_1, %mul3A_2 : vector<2500x128xf32>
    %cos3A = math.cos %mul3A_3 : vector<2500x128xf32>
    %add3A = arith.constant 1.000000e+00 : f32
    %add3A_4 = vector.broadcast %add3A : f32 to vector<2500x128xf32>
    %add3A_5 = arith.addf %cos3A, %add3A_4 : vector<2500x128xf32>
    %mul3A_6 = arith.constant 5.000000e-01 : f32
    %mul3A_7 = vector.broadcast %mul3A_6 : f32 to vector<2500x128xf32>
    %mul3A_8 = arith.mulf %mul3A_7, %add3A_5 : vector<2500x128xf32>
    %lt3A = arith.constant 5.000000e+00 : f32
    %lt3A_9 = vector.broadcast %lt3A : f32 to vector<2500x128xf32>
    %lt3A_10 = arith.cmpf olt, %get3A_1, %lt3A_9 : vector<2500x128xf32>
    %convert_element_type3A = arith.extui %lt3A_10 : vector<2500x128xi1> to vector<2500x128xi32>
    %convert_element_type3A_11 = arith.sitofp %convert_element_type3A : vector<2500x128xi32> to vector<2500x128xf32>
    %mul3A_12 = arith.mulf %mul3A_8, %convert_element_type3A_11 : vector<2500x128xf32>
    %get3A_13 = arith.constant 0 : index
    %get3A_14 = arith.constant 0 : index
    %get3A_15 = vector.load %arg1[%get3A_13, %get3A_14] : memref<2500x128xf32, #tpu.memory_space<vmem>>, vector<2500x128xf32>
    %mul3A_16 = arith.mulf %mul3A_12, %get3A_15 : vector<2500x128xf32>
    %swap3A = arith.constant 0 : index
    %swap3A_17 = arith.constant 0 : index
    %swap3A_18 = vector.load %arg2[%swap3A, %swap3A_17] : memref<2500x128xf32, #tpu.memory_space<vmem>>, vector<2500x128xf32>
    tpu.vector_store %arg2[%swap3A, %swap3A_17], %mul3A_16 {strides = array<i32>} : memref<2500x128xf32, #tpu.memory_space<vmem>>, vector<2500x128xf32>,
    return
  }
}

module attributes {stable_mosaic.version = 14 : i64} {
  func.func @_main_body(%arg0: i32, %arg1: memref<6400x25xf32, #tpu.memory_space<vmem>>, %arg2: memref<6400x128xf32, #tpu.memory_space<vmem>>, %arg3: memref<6400x1xf32, #tpu.memory_space<vmem>>, %arg4: memref<25x128xf32, #tpu.memory_space<vmem>>, %arg5: memref<1x128xf32, #tpu.memory_space<vmem>>, %arg6: memref<128x128xf32, #tpu.memory_space<vmem>>, %arg7: memref<1x128xf32, #tpu.memory_space<vmem>>, %arg8: memref<128x128xf32, #tpu.memory_space<vmem>>, %arg9: memref<1x128xf32, #tpu.memory_space<vmem>>, %arg10: memref<200x128xf32, #tpu.memory_space<vmem>>) attributes {dimension_semantics = [#tpu.dimension_semantics<arbitrary>], iteration_bounds = array<i64: 50>, scalar_prefetch = 0 : i64, scratch_operands = 0 : i64, tpu.core_type = #tpu.core_type<tc>, window_params = [{transform_indices = @transform_0, window_bounds = array<i64: 6400, 25>}, {transform_indices = @transform_1, window_bounds = array<i64: 6400, 128>}, {transform_indices = @transform_2, window_bounds = array<i64: 6400, 1>}, {pipeline_mode = #tpu.pipeline_mode<synchronous>, transform_indices = @transform_3, window_bounds = array<i64: 25, 128>}, {pipeline_mode = #tpu.pipeline_mode<synchronous>, transform_indices = @transform_4, window_bounds = array<i64: 1, 128>}, {pipeline_mode = #tpu.pipeline_mode<synchronous>, transform_indices = @transform_5, window_bounds = array<i64: 128, 128>}, {pipeline_mode = #tpu.pipeline_mode<synchronous>, transform_indices = @transform_6, window_bounds = array<i64: 1, 128>}, {pipeline_mode = #tpu.pipeline_mode<synchronous>, transform_indices = @transform_7, window_bounds = array<i64: 128, 128>}, {pipeline_mode = #tpu.pipeline_mode<synchronous>, transform_indices = @transform_8, window_bounds = array<i64: 1, 128>}, {transform_indices = @transform_9, window_bounds = array<i64: 200, 128>}]} {
    %get3A = arith.constant 0 : index
    %get3A_0 = arith.constant 0 : index
    %get3A_1 = vector.load %arg1[%get3A, %get3A_0] : memref<6400x25xf32, #tpu.memory_space<vmem>>, vector<6400x25xf32>
    %get3A_2 = arith.constant 0 : index
    %get3A_3 = arith.constant 0 : index
    %get3A_4 = vector.load %arg4[%get3A_2, %get3A_3] : memref<25x128xf32, #tpu.memory_space<vmem>>, vector<25x128xf32>
    %dot_general3A = arith.constant dense<0.000000e+00> : vector<6400x128xf32>
    %dot_general3A_5 = tpu.matmul %get3A_1, %get3A_4, %dot_general3A {dimension_numbers = #tpu.dot_dimension_numbers<[1], [0], [0], [1], [0, 0, 1, 1], [], []>, transpose_lhs_hint = false} : vector<6400x25xf32>, vector<25x128xf32>, vector<6400x128xf32> -> vector<6400x128xf32>
    %get3A_6 = arith.constant 0 : index
    %get3A_7 = arith.constant 0 : index
    %get3A_8 = vector.load %arg5[%get3A_6, %get3A_7] : memref<1x128xf32, #tpu.memory_space<vmem>>, vector<1x128xf32>
    %add3A = vector.broadcast %get3A_8 : vector<1x128xf32> to vector<6400x128xf32>
    %add3A_9 = arith.addf %dot_general3A_5, %add3A : vector<6400x128xf32>
    %custom_jvp_call3A = arith.constant 0.000000e+00 : f32
    %max3A = vector.broadcast %custom_jvp_call3A : f32 to vector<6400x128xf32>
    %max3A_10 = arith.maximumf %add3A_9, %max3A : vector<6400x128xf32>
    %sub3A = vector.broadcast %custom_jvp_call3A : f32 to vector<6400x128xf32>
    %sub3A_11 = arith.subf %add3A_9, %sub3A : vector<6400x128xf32>
    %ne3A = arith.cmpf one, %sub3A_11, %sub3A_11 : vector<6400x128xf32>
    %add3A_12 = vector.broadcast %custom_jvp_call3A : f32 to vector<6400x128xf32>
    %add3A_13 = arith.addf %add3A_9, %add3A_12 : vector<6400x128xf32>
    %abs3A = math.absf %sub3A_11 : vector<6400x128xf32>
    %neg3A = arith.constant 0.000000e+00 : f32
    %neg3A_14 = vector.broadcast %neg3A : f32 to vector<6400x128xf32>
    %neg3A_15 = arith.subf %neg3A_14, %abs3A : vector<6400x128xf32>
    %exp3A = math.exp %neg3A_15 : vector<6400x128xf32>
    %log1p3A = math.log1p %exp3A : vector<6400x128xf32>
    %add3A_16 = arith.addf %max3A_10, %log1p3A : vector<6400x128xf32>
    %select_n3A = arith.select %ne3A, %add3A_13, %add3A_16 : vector<6400x128xi1>, vector<6400x128xf32>
    %log3A = arith.constant 2.000000e+00 : f32
    %log3A_17 = math.log %log3A : f32
    %sub3A_18 = vector.broadcast %log3A_17 : f32 to vector<6400x128xf32>
    %sub3A_19 = arith.subf %select_n3A, %sub3A_18 : vector<6400x128xf32>
    %get3A_20 = arith.constant 0 : index
    %get3A_21 = arith.constant 0 : index
    %get3A_22 = vector.load %arg6[%get3A_20, %get3A_21] : memref<128x128xf32, #tpu.memory_space<vmem>>, vector<128x128xf32>
    %dot_general3A_23 = arith.constant dense<0.000000e+00> : vector<6400x128xf32>
    %dot_general3A_24 = tpu.matmul %sub3A_19, %get3A_22, %dot_general3A_23 {dimension_numbers = #tpu.dot_dimension_numbers<[1], [0], [0], [1], [0, 0, 1, 1], [], []>, transpose_lhs_hint = false} : vector<6400x128xf32>, vector<128x128xf32>, vector<6400x128xf32> -> vector<6400x128xf32>
    %get3A_25 = arith.constant 0 : index
    %get3A_26 = arith.constant 0 : index
    %get3A_27 = vector.load %arg7[%get3A_25, %get3A_26] : memref<1x128xf32, #tpu.memory_space<vmem>>, vector<1x128xf32>
    %add3A_28 = vector.broadcast %get3A_27 : vector<1x128xf32> to vector<6400x128xf32>
    %add3A_29 = arith.addf %dot_general3A_24, %add3A_28 : vector<6400x128xf32>
    %get3A_30 = arith.constant 0 : index
    %get3A_31 = arith.constant 0 : index
    %get3A_32 = vector.load %arg3[%get3A_30, %get3A_31] : memref<6400x1xf32, #tpu.memory_space<vmem>>, vector<6400x1xf32>
    %mul3A = vector.broadcast %get3A_32 : vector<6400x1xf32> to vector<6400x128xf32>
    %mul3A_33 = arith.mulf %add3A_29, %mul3A : vector<6400x128xf32>
    %get3A_34 = arith.constant 0 : index
    %get3A_35 = arith.constant 0 : index
    %get3A_36 = vector.load %arg2[%get3A_34, %get3A_35] : memref<6400x128xf32, #tpu.memory_space<vmem>>, vector<6400x128xf32>
    %mul3A_37 = arith.mulf %mul3A_33, %get3A_36 : vector<6400x128xf32>
    %reshape3A = vector.shape_cast %mul3A_37 : vector<6400x128xf32> to vector<200x32x128xf32>
    %reduce_sum3A = arith.constant dense<0.000000e+00> : vector<200x128xf32>
    %reduce_sum3A_38 = vector.multi_reduction <add>, %reshape3A, %reduce_sum3A [1] : vector<200x32x128xf32> to vector<200x128xf32>
    %get3A_39 = arith.constant 0 : index
    %get3A_40 = arith.constant 0 : index
    %get3A_41 = vector.load %arg8[%get3A_39, %get3A_40] : memref<128x128xf32, #tpu.memory_space<vmem>>, vector<128x128xf32>
    %dot_general3A_42 = arith.constant dense<0.000000e+00> : vector<200x128xf32>
    %dot_general3A_43 = tpu.matmul %reduce_sum3A_38, %get3A_41, %dot_general3A_42 {dimension_numbers = #tpu.dot_dimension_numbers<[1], [0], [0], [1], [0, 0, 1, 1], [], []>, transpose_lhs_hint = false} : vector<200x128xf32>, vector<128x128xf32>, vector<200x128xf32> -> vector<200x128xf32>
    %get3A_44 = arith.constant 0 : index
    %get3A_45 = arith.constant 0 : index
    %get3A_46 = vector.load %arg9[%get3A_44, %get3A_45] : memref<1x128xf32, #tpu.memory_space<vmem>>, vector<1x128xf32>
    %add3A_47 = vector.broadcast %get3A_46 : vector<1x128xf32> to vector<200x128xf32>
    %add3A_48 = arith.addf %dot_general3A_43, %add3A_47 : vector<200x128xf32>
    %custom_jvp_call3A_49 = arith.constant 0.000000e+00 : f32
    %max3A_50 = vector.broadcast %custom_jvp_call3A_49 : f32 to vector<200x128xf32>
    %max3A_51 = arith.maximumf %add3A_48, %max3A_50 : vector<200x128xf32>
    %sub3A_52 = vector.broadcast %custom_jvp_call3A_49 : f32 to vector<200x128xf32>
    %sub3A_53 = arith.subf %add3A_48, %sub3A_52 : vector<200x128xf32>
    %ne3A_54 = arith.cmpf one, %sub3A_53, %sub3A_53 : vector<200x128xf32>
    %add3A_55 = vector.broadcast %custom_jvp_call3A_49 : f32 to vector<200x128xf32>
    %add3A_56 = arith.addf %add3A_48, %add3A_55 : vector<200x128xf32>
    %abs3A_57 = math.absf %sub3A_53 : vector<200x128xf32>
    %neg3A_58 = arith.constant 0.000000e+00 : f32
    %neg3A_59 = vector.broadcast %neg3A_58 : f32 to vector<200x128xf32>
    %neg3A_60 = arith.subf %neg3A_59, %abs3A_57 : vector<200x128xf32>
    %exp3A_61 = math.exp %neg3A_60 : vector<200x128xf32>
    %log1p3A_62 = math.log1p %exp3A_61 : vector<200x128xf32>
    %add3A_63 = arith.addf %max3A_51, %log1p3A_62 : vector<200x128xf32>
    %select_n3A_64 = arith.select %ne3A_54, %add3A_56, %add3A_63 : vector<200x128xi1>, vector<200x128xf32>
    %log3A_65 = arith.constant 2.000000e+00 : f32
    %log3A_66 = math.log %log3A_65 : f32
    %sub3A_67 = vector.broadcast %log3A_66 : f32 to vector<200x128xf32>
    %sub3A_68 = arith.subf %select_n3A_64, %sub3A_67 : vector<200x128xf32>
    %swap3A = arith.constant 0 : index
    %swap3A_69 = arith.constant 0 : index
    %swap3A_70 = vector.load %arg10[%swap3A, %swap3A_69] : memref<200x128xf32, #tpu.memory_space<vmem>>, vector<200x128xf32>
    tpu.vector_store %arg10[%swap3A, %swap3A_69], %sub3A_68 {strides = array<i32>} : memref<200x128xf32, #tpu.memory_space<vmem>>, vector<200x128xf32>,
    return
  }
  func.func @transform_0(%arg0: i32) -> (i32, i32) {
    %c0_i32 = arith.constant 0 : i32
    %c0_i32_0 = arith.constant 0 : i32
    return %arg0, %c0_i32 : i32, i32
  }
  func.func @transform_1(%arg0: i32) -> (i32, i32) {
    %c0_i32 = arith.constant 0 : i32
    %c0_i32_0 = arith.constant 0 : i32
    return %arg0, %c0_i32 : i32, i32
  }
  func.func @transform_2(%arg0: i32) -> (i32, i32) {
    %c0_i32 = arith.constant 0 : i32
    %c0_i32_0 = arith.constant 0 : i32
    return %arg0, %c0_i32 : i32, i32
  }
  func.func @transform_3(%arg0: i32) -> (i32, i32) {
    %c0_i32 = arith.constant 0 : i32
    %c0_i32_0 = arith.constant 0 : i32
    %c0_i32_1 = arith.constant 0 : i32
    return %c0_i32, %c0_i32_0 : i32, i32
  }
  func.func @transform_4(%arg0: i32) -> (i32, i32) {
    %c0_i32 = arith.constant 0 : i32
    %c0_i32_0 = arith.constant 0 : i32
    %c0_i32_1 = arith.constant 0 : i32
    return %c0_i32, %c0_i32_0 : i32, i32
  }
  func.func @transform_5(%arg0: i32) -> (i32, i32) {
    %c0_i32 = arith.constant 0 : i32
    %c0_i32_0 = arith.constant 0 : i32
    %c0_i32_1 = arith.constant 0 : i32
    return %c0_i32, %c0_i32_0 : i32, i32
  }
  func.func @transform_6(%arg0: i32) -> (i32, i32) {
    %c0_i32 = arith.constant 0 : i32
    %c0_i32_0 = arith.constant 0 : i32
    %c0_i32_1 = arith.constant 0 : i32
    return %c0_i32, %c0_i32_0 : i32, i32
  }
  func.func @transform_7(%arg0: i32) -> (i32, i32) {
    %c0_i32 = arith.constant 0 : i32
    %c0_i32_0 = arith.constant 0 : i32
    %c0_i32_1 = arith.constant 0 : i32
    return %c0_i32, %c0_i32_0 : i32, i32
  }
  func.func @transform_8(%arg0: i32) -> (i32, i32) {
    %c0_i32 = arith.constant 0 : i32
    %c0_i32_0 = arith.constant 0 : i32
    %c0_i32_1 = arith.constant 0 : i32
    return %c0_i32, %c0_i32_0 : i32, i32
  }
  func.func @transform_9(%arg0: i32) -> (i32, i32) {
    %c0_i32 = arith.constant 0 : i32
    %c0_i32_0 = arith.constant 0 : i32
    return %arg0, %c0_i32 : i32, i32
  }
}

</mosaic_0001>

<sc_bundles>
// kernel: kernel.6.cloned.1.call-start
scs
__scs_entry_jumppad:
0x0: {  	(pc) =	sbr.rel $0x88, $3  }
0x1: {  	(tag) =	ssettag $0x0;
	lr =	simm.s32 $0x1  }
0x2: {  	[smem:$0x3F95] =	sst lr;
	_ =	strace $0xD0000000  }
0x3: {  	_ = 	snop  }
0x4: {  	_ = 	snop  }
0x5: {  	_ = 	snop  }
0x6: {  	_ = 	snop  }
0x7: {  	_ = 	snop  }
__scs_overlays_trampoline_lowered:
0x8: {  	[smem:$0x3FA4] =	sst s0  }
0x9: {  	[smem:$0x3FA5] =	sst s1  }
0xa: {  	[smem:$0x3FA6] =	sst s2  }
0xb: {  	[smem:$0x3FA7] =	sst s3  }
0xc: {  	[smem:$0x3FA8] =	sst s4  }
0xd: {  	[smem:$0x3FA9] =	sst s5  }
0xe: {  	[smem:$0x3FAA] =	sst s6  }
0xf: {  	[smem:$0x3FAB] =	sst s7  }
0x10: {  	[smem:$0x3FAC] =	sst s8  }
0x11: {  	[smem:$0x3FAD] =	sst s9;
	s0 =	simm.s32 @!p0 $0x0  }
0x12: {  	s1 =	sld [smem:$0x3F93];
	s0 =	simm.s32 @p0 $0x1  }
0x13: {  	[smem:$0x3FAE] =	sst s0;
	s0 =	simm.s32 @!p1 $0x0  }
0x14: {  	s2 =	sld [smem:$0x3F92];
	s0 =	simm.s32 @p1 $0x1  }
0x15: {  	[smem:$0x3FAF] =	sst s0;
	s0 =	simm.s32 @!p2 $0x0  }
0x16: {  	s3 =	sld [smem:$0x3FDB];
	s0 =	simm.s32 @p2 $0x1  }
0x17: {  	s4 =	simm.s32 $0x1BF5;
	[smem:$0x3FB1] =	sst s0  }
0x18: {  	s0 =	sld [smem:$0x3F94];
	_ =	swait.ge [sflag:s4], $0x0  }
0x19: {  	s7 =	sld [smem:$0x3F95]  }
0x1a: {  	s8 =	sadd.s32 $0xFFFFE003, lr  }
0x1b: {  	s9 =	sadd.s32 $0xFFFFFEF7, lr;
	s5 =	simm.s32 $0xFFFFFFFF;
	p2 =	slt.u32 s8, $0xFFFFF086  }
0x1c: {  	p1 =	slt.u32 s9, $0xF7A;
	s5 =	simm.s32 @!p2 $0x0  }
0x1d: {  	s5 =	simm.s32 @p1 $0x1;
	p0 =	seq.s32 s7, s2  }
0x1e: {  	s7 =	smul.u32 @!p0 $0xF7A, s2;
	p2 =	seq.s32 @!p0 s5, $0x0  }
0x1f: {  	s9 =	smul.u32 $0xF7A, s1;
	s8 =	simm.s32 @!p0 $0x1BF5;
	p2 =	por !p2, p0  }
0x20: {  	[sflag:s8] =	ssyncset.s32 @!p0 $0xFFFFF086;
	s6 =	sadd.s32 @!p0 s3, s7;
	s7 =	simm.s32 @!p0 $0x108  }
0x21: {  	s3 =	sadd.s32 s3, s9;
	s6 =	sadd.s32 @!p0 $0x88, s6;
	s7 =	simm.s32 @p2 $0x1082  }
0x22: {  	[simem:s7], [sflag:s8] =	dma.local @!p0 [hbm:s6], $0xF7A  }
0x23: {  	s9 =	sor.u32 $0xD0000000, s2;
	s6 =	simm.s32 $0x108;
	_ =	swait.ge @!p0 [sflag:s8], $0x0  }
0x24: {  	s3 =	sadd.s32 $0x88, s3;
	s6 =	simm.s32 @!p1 $0x1082;
	[sflag:s4] =	ssyncset.s32 $0xFFFFF086  }
0x25: {  	[simem:s6], [sflag:s4] =	dma.local [hbm:s3], $0xF7A  }
0x26: {  	[smem:$0x3F95] =	sst s1;
	(tag) =	ssettag s2;
	_ =	strace s9  }
0x27: {  	s1 =	sld [smem:$0x3FA5]  }
0x28: {  	s2 =	sld [smem:$0x3FA6]  }
0x29: {  	s4 =	sld [smem:$0x3FA8]  }
0x2a: {  	p0 =	seq.s32 s5, $0x0;
	s5 =	sld [smem:$0x3FA9]  }
0x2b: {  	s6 =	sld [smem:$0x3FAA]  }
0x2c: {  	s7 =	sld [smem:$0x3FAB]  }
0x2d: {  	s3 =	simm.s32 $0x108;
	s8 =	sld [smem:$0x3FAC]  }
0x2e: {  	s3 =	simm.s32 @!p0 $0x1082;
	s9 =	sld [smem:$0x3FAD]  }
0x2f: {  	lr =	sadd.s32 s0, s3;
	s0 =	sld [smem:$0x3FA4]  }
0x30: {  	s3 =	sld [smem:$0x3FA7]  }
0x31: {  	[smem:$0x3FB0] =	sst s10  }
0x32: {  	s10 =	sld [smem:$0x3FAE];
	_ =	sdelay $0x3  }
0x33: {  	p0 =	seq.s32 s10, $0x1;
	s10 =	sld [smem:$0x3FB0];
	_ =	sdelay $0x3  }
0x34: {  	[smem:$0x3FB0] =	sst s10  }
0x35: {  	s10 =	sld [smem:$0x3FAF];
	_ =	sdelay $0x3  }
0x36: {  	p1 =	seq.s32 s10, $0x1;
	s10 =	sld [smem:$0x3FB0];
	_ =	sdelay $0x3  }
0x37: {  	[smem:$0x3FB0] =	sst s10  }
0x38: {  	s10 =	sld [smem:$0x3FB1]  }
0x39: {  	_ = 	snop;
	(pc) =	sbr.ind lr, $3  }
0x3a: {  	_ = 	snop  }
0x3b: {  	_ = 	snop  }
0x3c: {  	p2 =	seq.s32 s10, $0x1;
	s10 =	sld [smem:$0x3FB0]  }
0x3d: {  	_ =	shalt  }
0x3e: {  	_ =	shalt  }
0x3f: {  	_ =	shalt  }
0x40: {  	_ =	shalt  }
0x41: {  	_ =	shalt  }
0x42: {  	_ =	shalt  }
0x43: {  	_ =	shalt  }
0x44: {  	_ =	shalt  }
0x45: {  	_ =	shalt  }
0x46: {  	_ =	shalt  }
0x47: {  	_ =	shalt  }
0x48: {  	_ =	shalt  }
0x49: {  	_ =	shalt  }
0x4a: {  	_ =	shalt  }
0x4b: {  	_ =	shalt  }
0x4c: {  	_ =	shalt  }
0x4d: {  	_ =	shalt  }
0x4e: {  	_ =	shalt  }
0x4f: {  	_ =	shalt  }
0x50: {  	_ =	shalt  }
0x51: {  	_ =	shalt  }
0x52: {  	_ =	shalt  }
0x53: {  	_ =	shalt  }
0x54: {  	_ =	shalt  }
0x55: {  	_ =	shalt  }
0x56: {  	_ =	shalt  }
0x57: {  	_ =	shalt  }
0x58: {  	_ =	shalt  }
0x59: {  	_ =	shalt  }
0x5a: {  	_ =	shalt  }
0x5b: {  	_ =	shalt  }
0x5c: {  	_ =	shalt  }
0x5d: {  	_ =	shalt  }
0x5e: {  	_ =	shalt  }
0x5f: {  	_ =	shalt  }
0x60: {  	_ =	shalt  }
0x61: {  	_ =	shalt  }
0x62: {  	_ =	shalt  }
0x63: {  	_ =	shalt  }
0x64: {  	_ =	shalt  }
0x65: {  	_ =	shalt  }
0x66: {  	_ =	shalt  }
0x67: {  	_ =	shalt  }
0x68: {  	_ =	shalt  }
0x69: {  	_ =	shalt  }
0x6a: {  	_ =	shalt  }
0x6b: {  	_ =	shalt  }
0x6c: {  	_ =	shalt  }
0x6d: {  	_ =	shalt  }
0x6e: {  	_ =	shalt  }
0x6f: {  	_ =	shalt  }
0x70: {  	_ =	shalt  }
0x71: {  	_ =	shalt  }
0x72: {  	_ =	shalt  }
0x73: {  	_ =	shalt  }
0x74: {  	_ =	shalt  }
0x75: {  	_ =	shalt  }
0x76: {  	_ =	shalt  }
0x77: {  	_ =	shalt  }
0x78: {  	_ =	shalt  }
0x79: {  	_ =	shalt  }
0x7a: {  	_ =	shalt  }
0x7b: {  	_ =	shalt  }
0x7c: {  	_ =	shalt  }
0x7d: {  	_ =	shalt  }
0x7e: {  	_ =	shalt  }
0x7f: {  	_ =	shalt  }
0x80: {  	_ =	shalt  }
0x81: {  	_ =	shalt  }
0x82: {  	_ =	shalt  }
0x83: {  	_ =	shalt  }
0x84: {  	_ =	shalt  }
0x85: {  	_ =	shalt  }
0x86: {  	_ =	shalt  }
0x87: {  	_ =	shalt  }
.Lfunc_end0:
.L_simem_size_0:
called_computation_lowered:
.L_overlay_start_0:
0x88: {  	s2 =	sld [smem:$0x3FD9]  }
0x89: {  	s3 =	sld [smem:$0x3FFE];
	_ =	sdelay $0x1  }
0x8a: {  	s1 =	srdreg.scid  }
0x8b: {  	s0 =	sand.u32 $0x1, s1  }
0x8c: {  	s17 =	sshll.u32 s0, $0xA;
	s2 =	sadd.s32 s3, s2  }
0x8d: {  	s2 =	sadd.s32 s2, s17  }
0x8e: {  	[smem:$0x3FBC] =	sst s2  }
0x8f: {  	_ = 	snop  }
0x90: {  	s2 =	sld [smem:$0x3FD0];
	(tm) =	ssettm $0x1  }
0x91: {  	s18 =	sld [smem:$0x3FFB];
	_ =	sdelay $0x3  }
0x92: {  	_ =	strace s18  }
0x93: {  	s3 =	sld [smem:$0x3FFC];
	_ =	sdelay $0x3  }
0x94: {  	_ =	strace s3  }
0x95: {  	s3 =	sld [smem:$0x3FFD];
	_ =	sdelay $0x3  }
0x96: {  	_ =	strace s3  }
0x97: {  	_ =	strace $0x8FFFFFFF  }
0x98: {  	s19 =	sld [smem:$0x3FDB];
	_ =	sdelay $0x1  }
0x99: {  	s4 =	simm.s32 $_scs_section_size  }
0x9a: {  	s5 =	simm.s32 $_size__tile_overlayer_lowered;
	s6 =	simm.s32 $_tile_overlayer_lowered  }
0x9b: {  	s22 =	simm.s32 $0x1BFF;
	s21 =	sshll.u32 s6, $0x1;
	s3 =	sadd.s32 s4, s19  }
0x9c: {  	s7 =	simm.s32 $0x0;
	s20 =	sshll.u32 s5, $0x1;
	s5 =	sadd.s32 s21, s3  }
0x9d: {  	[timem:s7], [sflag:s22] =	dma.local [hbm:s5], s20  }
0x9e: {  	_ =	swait.ge [sflag:s22], s20  }
0x9f: {  	s4 =	ssub.s32 $0x0, s20;
	[sflag:s22] =	ssyncset.done $0x0  }
0xa0: {  	[sflag:s22] =	ssyncadd.s32 s4;
	_ =	sdelay $0x1  }
0xa1: {  	s23 =	simm.s32 $0x1B8B  }
0xa2: {  	_ =	swait.ge [sflag:s23], $0x1  }
0xa3: {  	[sflag:s23] =	ssyncset.done $0x0  }
0xa4: {  	s25 =	simm.s32 $0x1B8E;
	s24 =	sld [smem:$0x3FFE];
	[sflag:s23] =	ssyncadd.s32 $0xFFFFFFFF  }
0xa5: {  	s26 =	simm.s32 $execute0_lowered;
	[smem:$0x3FD2] =	sst s25  }
0xa6: {  	s5 =	sshll.u32 s26, $0x1;
	_ =	strace $0x80000046;
	[dreg:$0x1] =	wrdreg $0xFFFFFFFF  }
0xa7: {  	s28 =	simm.s32 $_size_execute0_lowered;
	s3 =	sadd.s32 s3, s5;
	[dreg:$0x0] =	wrdreg $0x0  }
0xa8: {  	s5 =	sshll.u32 s28, $0x1;
	[dreg:$0x2] =	wrdreg s3  }
0xa9: {  	[dreg:$0x3] =	wrdreg s5  }
0xaa: {  	[dreg:$0x4] =	wrdreg $0xC0  }
0xab: {  	_ =	task [dreg:s7], $0x5FFFF  }
0xac: {  	[dreg:$0x1] =	wrdreg $0xFFFFFFFF  }
0xad: {  	[dreg:$0x0] =	wrdreg $0x60  }
0xae: {  	[dreg:$0x2] =	wrdreg s2  }
0xaf: {  	[dreg:$0x3] =	wrdreg s24  }
0xb0: {  	[dreg:$0x4] =	wrdreg $0x9  }
0xb1: {  	_ =	task.clear_ibuf [dreg:s7], $0x5FFFF;
	_ =	strace $0x90000046  }
0xb2: {  	s29 =	simm.s32 $0x9;
	_ =	strace $0x80000048  }
0xb3: {  	_ =	swait.ge [sflag:s29], $0x1  }
0xb4: {  	[sflag:s29] =	ssyncadd.s32 $0xFFFFFFFF  }
0xb5: {  	_ =	strace $0x90000048  }
0xb6: {  	_ =	sfence  }
0xb7: {  	s30 =	sld [smem:$0x0];
	_ =	sdelay $0x2  }
0xb8: {  	s31 =	sshll.u32 s1, $0xD;
	s1 =	sshrl.u32 s1, $0x2  }
0xb9: {  	s3 =	sand.u32 $0x4000, s31;
	s1 =	sadd.s32 s1, s30  }
0xba: {  	s0 =	sor.u32 s3, s0;
	s1 =	sshll.u32 s1, $0x11  }
0xbb: {  	s0 =	sor.u32 s1, s0  }
0xbc: {  	s0 =	sadd.s32 $0x8F2B, s0  }
0xbd: {  	[sflag:s0] =	ssyncadd.remote.s32 $0x1  }
0xbe: {  	_ =	sfence.sel $0xFFFF  }
0xbf: {  	[dreg:$0x0] =	wrdreg $0xFFFFFFFF;
	(pc) =	sbr.abs _section_cstart, $3  }
0xc0: {  	[dreg:$0x1] =	wrdreg $0xFFFFFFFF  }
0xc1: {  	_ =	task.clear_ibuf [dreg:s7], $0x2FFFF;
	_ =	strace $0x9FFFFFFF  }
0xc2: {  	(tm) =	ssettm $0x7FFFFFFF  }
0xc3: {  	_ =	shalt  }
tec
execute0_lowered:
.L_overlay_start_1:
0x0: {  	(tag) =	ssettag $0x1  }
0x1: {  	s2 =	rddreg [dreg:$0x0]  }
0x2: {  	s1 =	srdreg.scid;
	s0 =	stileid.u32  }
0x3: {  	s4 =	rddreg [dreg:$0x1];
	s3 =	simm.s32 $0x0;
	s18 =	simm.s32 $0x2  }
0x4: {  	s19 =	simm.s32 $0x3;
	s20 =	simm.s32 $0x6600;
	s21 =	simm.s32 $0x4  }
0x5: {  	s11 =	sand.u32 $0x1, s1;
	s1 =	rddreg [dreg:$0x2];
	s15 =	smul.u32 $0x4E20, s0  }
0x6: {  	s5 =	sshll.u32 s0, $0x1;
	[smem:$0x7FF] =	sst s3;
	s30 =	smul.u32 $0x4E200, s0  }
0x7: {  	s12 =	sadd.s32 $0x2000, s4;
	s13 =	sadd.s32 $0xBE00, s4;
	s16 =	smul.u32 $0x2710, s11  }
0x8: {  	s6 =	sor.u32 s11, s5;
	s22 =	ssub.s32 $0x2, s11;
	s17 =	smul.u32 $0x27100, s11  }
0x9: {  	_ =	strace $0x80000047;
	s7 =	smul.u32 $0x2710, s6;
	s23 =	sshrl.u32 s22, $0x1  }
0xa: {  	s10 =	smul.u32 $0x27100, s6;
	s9 =	ssub.s32 s22, s23;
	s29 =	sadd.s32 s16, s15  }
0xb: {  	s15 =	simm.s32 $0x1;
	s22 =	simm.s32 $0x5;
	s23 =	simm.s32 $0x6  }
0xc: {  	s8 =	sadd.s32 $0xC8, s7;
	s24 =	sshrl.u32 s7, $0x3;
	s14 =	sadd.s32 $0x258, s7  }
0xd: {  	s6 =	smax.u32 s9, $0x1;
	s7 =	sadd.s32 s13, s10;
	s16 =	sadd.s32 $0x3E8, s29  }
0xe: {  	s25 =	sshrl.u32 s8, $0x3;
	s4 =	sadd.s32 s12, s24;
	s26 =	sshll.u32 s8, $0x4  }
0xf: {  	s28 =	sshrl.u32 s14, $0x3;
	s14 =	sadd.s32 $0x320, s29;
	s31 =	sshrl.u32 s16, $0x3  }
.Ltmp0:
0x10: {  	s16 =	simm.s32 $0xC8;
	s24 =	simm.s32 $0x0;
	(pc) =	sbr.rel .LBB2_1-.Ltmp0, $4  }
0x11: {  	s5 =	sadd.s32 s12, s25;
	s8 =	sadd.s32 $0x32, s4;
	s9 =	sadd.s32 s13, s26  }
0x12: {  	s10 =	sadd.s32 s12, s28;
	s14 =	sshrl.u32 s14, $0x3;
	s13 =	sadd.s32 s30, s13  }
0x13: {  	s11 =	sadd.s32 s31, s12;
	s12 =	sadd.s32 s14, s12;
	s13 =	sadd.s32 s17, s13  }
0x14: {  	s14 =	simm.s32 $0x100;
	s17 =	simm.s32 $0x200;
	s13 =	sadd.s32 $0x2580, s13  }
.LBB2_4:
0x15: {  	_ =	swait.ge [sflag:s21], $0x6400  }
0x16: {  	[sflag:s21] =	ssyncset.done $0x0  }
0x17: {  	s24 =	sadd.s32 $0x1, s24;
	[sflag:s21] =	ssyncadd.s32 $0xFFFF9C00  }
0x18: {  	[hbm4b:s25+s3] =	stream.linear.scatter [tilespmem:s20], [sflag:$0x6], $0x6400, $0x38;
	[tilespmem:$0xCA00] =	vst v63  }
0x19: {  	p0 =	sne.s32 s24, s6;
	_ =	swait.ge [sflag:s22], $0x6400  }
.Ltmp1:
0x1a: {  	[sflag:s22] =	ssyncset.done $0x0;
	(pc) =	sbr.rel @!p0 .LBB2_5-.Ltmp1, $4  }
0x1b: {  	[sflag:s22] =	ssyncadd.s32 $0xFFFF9C00  }
0x1c: {  	_ =	swait.ge [sflag:s23], $0x6400  }
0x1d: {  	[sflag:s23] =	ssyncset.done $0x0  }
0x1e: {  	[sflag:s23] =	ssyncadd.s32 $0xFFFF9C00  }
.LBB2_1:
0x1f: {  	[tilespmem:s3], [sflag:$0x1] =	stream.linear.gather [hbm4b:s4+s3], $0xC8, $0x38;
	[tilespmem:$0xCA00] =	vst v63  }
0x20: {  	_ = 	snop  }
0x21: {  	[tilespmem:s14], [sflag:$0x2] =	stream.linear.gather [hbm4b:s5+s3], $0xC8, $0x38;
	[tilespmem:$0xCA00] =	vst v63  }
0x22: {  	_ =	swait.ge [sflag:s15], $0xC8  }
0x23: {  	[sflag:s15] =	ssyncset.done $0x0  }
0x24: {  	[sflag:s15] =	ssyncadd.s32 $0xFFFFFF38  }
0x25: {  	[tilespmem:s17], [sflag:$0x3] =	stream.indirect.gather [hbm4b:s2+s16], $0x80, s3, s16, $0xb8;
	[tilespmem:$0xCA00] =	vst v63  }
0x26: {  	_ =	swait.ge [sflag:s18], $0xC8  }
0x27: {  	[sflag:s18] =	ssyncset.done $0x0  }
0x28: {  	[sflag:s18] =	ssyncadd.s32 $0xFFFFFF38  }
0x29: {  	_ =	swait.ge [sflag:s19], $0x6400  }
0x2a: {  	[sflag:s19] =	ssyncset.done $0x0  }
0x2b: {  	[sflag:s19] =	ssyncadd.s32 $0xFFFF9C00  }
0x2c: {  	[hbm4b:s7+s3] =	stream.linear.scatter [tilespmem:s17], [sflag:$0x5], $0x6400, $0x38;
	[tilespmem:$0xCA00] =	vst v63  }
0x2d: {  	_ = 	snop  }
0x2e: {  	[tilespmem:s20], [sflag:$0x4] =	stream.indirect.gather [hbm4b:s2+s16], $0x80, s14, s16, $0xb8;
	[tilespmem:$0xCA00] =	vst v63  }
0x2f: {  	_ = 	snop  }
0x30: {  	[tilespmem:s3], [sflag:$0x1] =	stream.linear.gather [hbm4b:s8+s3], $0xC8, $0x38;
	[tilespmem:$0xCA00] =	vst v63  }
0x31: {  	_ =	swait.ge [sflag:s21], $0x6400  }
0x32: {  	[sflag:s21] =	ssyncset.done $0x0  }
0x33: {  	[sflag:s21] =	ssyncadd.s32 $0xFFFF9C00  }
0x34: {  	[hbm4b:s9+s3] =	stream.linear.scatter [tilespmem:s20], [sflag:$0x6], $0x6400, $0x38;
	[tilespmem:$0xCA00] =	vst v63  }
0x35: {  	s25 =	smov.u32 s13;
	s26 =	simm.s32 $0x0  }
0x36: {  	[tilespmem:s14], [sflag:$0x2] =	stream.linear.gather [hbm4b:s10+s3], $0xC8, $0x38;
	[tilespmem:$0xCA00] =	vst v63  }
.LBB2_2:
0x37: {  	_ =	swait.ge [sflag:s22], $0x6400  }
0x38: {  	[sflag:s22] =	ssyncset.done $0x0  }
0x39: {  	[sflag:s22] =	ssyncadd.s32 $0xFFFF9C00  }
0x3a: {  	_ =	swait.ge [sflag:s23], $0x6400  }
0x3b: {  	[sflag:s23] =	ssyncset.done $0x0  }
0x3c: {  	[sflag:s23] =	ssyncadd.s32 $0xFFFF9C00  }
0x3d: {  	_ =	swait.ge [sflag:s15], $0xC8  }
0x3e: {  	[sflag:s15] =	ssyncset.done $0x0  }
0x3f: {  	[sflag:s15] =	ssyncadd.s32 $0xFFFFFF38  }
0x40: {  	[tilespmem:s17], [sflag:$0x3] =	stream.indirect.gather [hbm4b:s2+s16], $0x80, s3, s16, $0xb8;
	[tilespmem:$0xCA00] =	vst v63  }
0x41: {  	_ =	swait.ge [sflag:s18], $0xC8  }
0x42: {  	[sflag:s18] =	ssyncset.done $0x0  }
0x43: {  	[sflag:s18] =	ssyncadd.s32 $0xFFFFFF38  }
0x44: {  	p0 =	seq.s32 s26, $0x47E;
	_ =	swait.ge [sflag:s19], $0x6400  }
.Ltmp2:
0x45: {  	[sflag:s19] =	ssyncset.done $0x0;
	(pc) =	sbr.rel @p0 .LBB2_4-.Ltmp2, $4  }
0x46: {  	s28 =	sadd.s32 $0xFFFFF380, s25;
	[sflag:s19] =	ssyncadd.s32 $0xFFFF9C00  }
0x47: {  	[hbm4b:s28+s3] =	stream.linear.scatter [tilespmem:s17], [sflag:$0x5], $0x6400, $0x38;
	[tilespmem:$0xCA00] =	vst v63  }
0x48: {  	_ = 	snop  }
0x49: {  	[tilespmem:s20], [sflag:$0x4] =	stream.indirect.gather [hbm4b:s2+s16], $0x80, s14, s16, $0xb8;
	[tilespmem:$0xCA00] =	vst v63  }
0x4a: {  	s28 =	sadd.s32 s26, s12  }
0x4b: {  	[tilespmem:s3], [sflag:$0x1] =	stream.linear.gather [hbm4b:s28+s3], $0xC8, $0x38;
	[tilespmem:$0xCA00] =	vst v63  }
0x4c: {  	_ =	swait.ge [sflag:s21], $0x6400  }
.Ltmp3:
0x4d: {  	[sflag:s21] =	ssyncset.done $0x0;
	(pc) =	sbr.rel .LBB2_2-.Ltmp3, $4  }
0x4e: {  	[sflag:s21] =	ssyncadd.s32 $0xFFFF9C00  }
0x4f: {  	[hbm4b:s25+s3] =	stream.linear.scatter [tilespmem:s20], [sflag:$0x6], $0x6400, $0x38;
	[tilespmem:$0xCA00] =	vst v63  }
0x50: {  	s31 =	sadd.s32 s26, s11;
	s26 =	sadd.s32 $0x32, s26;
	s25 =	sadd.s32 $0x1900, s25  }
0x51: {  	[tilespmem:s14], [sflag:$0x2] =	stream.linear.gather [hbm4b:s31+s3], $0xC8, $0x38;
	[tilespmem:$0xCA00] =	vst v63  }
.LBB2_5:
0x52: {  	_ =	sfence.sel $0x180000  }
0x53: {  	[bflag:$0x0] =	sbarrier.arrive $0xFFFF  }
0x54: {  	p0 =	sne.s32 s0, $0x0;
	_ =	strace $0x90000047  }
0x55: {  	s0 =	sadd.s32 @!p0 $0x100000, s1;
	[bflag:$0x2] =	sbarrier.arrive $0xFFFF  }
0x56: {  	[sflag:s0] =	ssyncadd.tile.s32 @!p0 $0x1;
	_ =	shalt  }
.Lfunc_end2:
_tile_overlayer_lowered:
.L_overlay_start_2:
0x57: {  	(tag) =	ssettag $0x2  }
0x58: {  	s0 =	rddreg [dreg:$0x0];
	s2 =	stileid.u32  }
0x59: {  	s1 =	rddreg [dreg:$0x1];
	p0 =	sne.s32 s2, $0x0  }
0x5a: {  	s3 =	rddreg [dreg:$0x2];
	[bflag:$0x3] =	sbarrier.arrive $0xFFFF;
	s2 =	simm.s32 @!p0 $0x1C07  }
0x5b: {  	[timem:s3], [sflag:s2] =	dma.local @!p0 [hbm:s0], s1  }
0x5c: {  	s0 =	simm.s32 @!p0 $0x7  }
0x5d: {  	_ =	swait.ge @!p0 [sflag:s0], s1  }
0x5e: {  	s1 =	ssub.s32 @!p0 $0x0, s1;
	[sflag:s0] =	ssyncset.done @!p0 $0x0  }
0x5f: {  	[sflag:s0] =	ssyncadd.s32 @!p0 s1  }
0x60: {  	[bflag:$0x3] =	sbarrier.arrive $0xFFFF  }
0x61: {  	_ =	shalt  }

</sc_bundles>
